<compile_context>
chip_gen: v7x
topology: tpu7x:2x2x1
jax: 0.10.2.dev20260603
libtpu: 0.0.44.dev20260713+nightly
codegen_flags: <defaults>
</compile_context>

<pallas_src>
import jax
import jax.numpy as jnp
from jax import lax
from jax.experimental import pallas as pl
from jax.experimental.pallas import tpu as pltpu
from jax.experimental.pallas import tpu_sc as plsc

_L = 2048
_N = 32
_X, _Y = 8, 4
_NS = 16
_LANES = 16
_ROWS = _L // _NS


def _reduce_body(w_hbm, h_hbm, out_hbm, w_v, h_v, part_v, gather_v, res_v, shared):
    s = lax.axis_index("s")
    r0 = s * _ROWS

    pltpu.sync_copy(w_hbm.at[pl.ds(r0, _ROWS), :], w_v)
    pltpu.sync_copy(h_hbm.at[pl.ds(r0, _ROWS), :], h_v)

    def step(i, accs):
        a0, a1, b0, b1 = accs
        r = i * 2
        a0 = a0 + w_v[r, 0:16] * h_v[r, 0:16]
        a1 = a1 + w_v[r, 16:32] * h_v[r, 16:32]
        b0 = b0 + w_v[r + 1, 0:16] * h_v[r + 1, 0:16]
        b1 = b1 + w_v[r + 1, 16:32] * h_v[r + 1, 16:32]
        return (a0, a1, b0, b1)

    z = jnp.zeros((_LANES,), jnp.float32)
    a0, a1, b0, b1 = lax.fori_loop(0, _ROWS // 2, step, (z, z, z, z))
    part_v[0:16] = a0 + b0
    part_v[16:32] = a1 + b1

    pltpu.sync_copy(part_v, shared.at[s])
    plsc.subcore_barrier()

    @pl.when(s == 0)
    def _():
        pltpu.sync_copy(shared, gather_v)
        t0 = gather_v[0, 0:16]
        t1 = gather_v[0, 16:32]
        for k in range(1, _NS):
            t0 = t0 + gather_v[k, 0:16]
            t1 = t1 + gather_v[k, 16:32]
        res_v[0:16] = t0
        res_v[16:32] = t1
        pltpu.sync_copy(res_v, out_hbm)


@jax.jit
def _run(w2d, h2d):
    mesh = plsc.VectorSubcoreMesh(
        core_axis_name="c", subcore_axis_name="s", num_cores=1
    )
    kern = pl.kernel(
        _reduce_body,
        out_type=jax.ShapeDtypeStruct((_N,), jnp.float32),
        mesh=mesh,
        scratch_types=[
            pltpu.VMEM((_ROWS, _N), jnp.float32),
            pltpu.VMEM((_ROWS, _N), jnp.float32),
            pltpu.VMEM((_N,), jnp.float32),
            pltpu.VMEM((_NS, _N), jnp.float32),
            pltpu.VMEM((_N,), jnp.float32),
            pltpu.VMEM_SHARED((_NS, _N), jnp.float32),
        ],
        compiler_params=pltpu.CompilerParams(use_tc_tiling_on_sc=False),
    )
    return kern(w2d, h2d)


def kernel(x, adj, W_att, a_att, W_out):
    h2d = jnp.reshape(x[0], (_L, _N))
    w2d = jnp.reshape(W_out, (_L, _N))
    return jnp.reshape(_run(w2d, h2d), (_X, _Y))

# --- scband reference (transcript-rebuilt; emitter-appended) ---
"""Pipeline reference for scband-my-gat-1254130450647 (READ-ONLY COPY).

The authoritative reference and input builder live on the scoring server;
editing this copy changes nothing except your own understanding.
"""

import jax, jax.numpy as jnp
import numpy as np
import math

L, X, Y = 2048, 8, 4
N = X * Y

def setup_inputs(seed: int = 0):
    key = jax.random.key(seed)
    k0, k1, k2, k3 = jax.random.split(key, 4)
    x = jax.random.normal(k0, (1, L, X, Y), dtype=jnp.float32)
    adj = jnp.ones((N, N), dtype=jnp.float32)
    # per-edge attention params: each of the N*N MyGraphAttentionLayer modules has
    # W ~ U(0,1) of shape [L] and a ~ U(0,1) of shape [2*out_features]=[2]
    W_att = jax.random.uniform(k1, (N, N, L), dtype=jnp.float32)
    a_att = jax.random.uniform(k2, (N, N, 2), dtype=jnp.float32)
    # output layer W: xavier_uniform on shape [L, X, Y] -> fan_in = X*Y? torch computes
    # fan_in = size(1)*prod(dims[2:]) = 8*4 = 32, fan_out = size(0)*prod(dims[2:]) = 2048*4 = 8192
    bound = math.sqrt(6.0 / (8 * 4 + 2048 * 4))
    W_out = jax.random.uniform(k3, (L, X, Y), dtype=jnp.float32, minval=-bound, maxval=bound)
    return {"x": x, "adj": adj, "W_att": W_att, "a_att": a_att, "W_out": W_out}

def reference(x, adj, W_att, a_att, W_out):
    # eval mode: F.dropout is identity
    h = x[0]  # squeeze -> [L, X, Y]
    # attention layer k = x_idx*N + y_idx uses node (i,j) with i = idx % X, j = idx // X
    # so node ordering is j-major: h_nodes[:, idx] = h[:, idx % X, idx // X]
    h_nodes = jnp.transpose(h, (0, 2, 1)).reshape(L, N)  # [L, N]
    # Wh1 = h[:, i1, j1] . W_k ; Wh2 = h[:, i2, j2] . W_k
    Wh1 = jnp.einsum('lx,xyl->xy', h_nodes, W_att)
    Wh2 = jnp.einsum('ly,xyl->xy', h_nodes, W_att)
    # WH = stack([Wh1, Wh2]) @ a  (a has shape [2] since out_features must be 1)
    WH = Wh1 * a_att[:, :, 0] + Wh2 * a_att[:, :, 1]
    attx = jnp.where(WH > 0, WH, 0.2 * WH)  # LeakyReLU(alpha=0.2)
    attx = jnp.where(adj > 0, attx, jnp.zeros_like(attx))
    attx = jax.nn.softmax(attx, axis=0)
    # MyGraphOutputLayer
    e = jnp.sum(W_out * h, axis=0).reshape(1, N)  # row-major flatten (i*Y + j)
    e = jnp.broadcast_to(e, (N, N))
    e = e * attx
    out = jnp.sum(e, axis=0).reshape(X, Y)
    return out

if __name__ == "__main__":
    import jax
    _d = setup_inputs()
    print(jax.jit(kernel)(*tuple(_d.values())))

</pallas_src>

<mosaic_0001>
#map = affine_map<(d0, d1) -> (0, 0)>
#map1 = affine_map<(d0, d1) -> (0)>
module attributes {stable_mosaic.version = 14 : i64} {
  func.func @_reduce_body(%arg0: i32, %arg1: i32, %arg2: memref<2048x32xf32, #tpu.memory_space<hbm>>, %arg3: memref<2048x32xf32, #tpu.memory_space<hbm>>, %arg4: memref<32xf32, #tpu.memory_space<hbm>>, %arg5: memref<128x32xf32, #tpu.memory_space<vmem>>, %arg6: memref<128x32xf32, #tpu.memory_space<vmem>>, %arg7: memref<32xf32, #tpu.memory_space<vmem>>, %arg8: memref<16x32xf32, #tpu.memory_space<vmem>>, %arg9: memref<32xf32, #tpu.memory_space<vmem>>, %arg10: memref<16x32xf32, #tpu.memory_space<vmem_shared>>) attributes {dimension_semantics = [#tpu.dimension_semantics<core_parallel>, #tpu.dimension_semantics<subcore_parallel>], iteration_bounds = array<i64: 1, 16>, scalar_prefetch = 0 : i64, scratch_operands = 6 : i64, tpu.core_type = #tpu.core_type<sc_vector_subcore>, window_params = [{transform_indices = #map}, {transform_indices = #map}, {transform_indices = #map1}]} {
    %mul3A = arith.constant 128 : i32
    %mul3A_0 = arith.muli %arg1, %mul3A : i32
    "tpu.region"() ({
      %run_scoped3A = tpu.sem_alloc : memref<!tpu.dma_semaphore, #tpu.memory_space<semaphore_mem>>
      %dma_start3A = arith.constant 0 : i32
      %dma_start3A_17 = tpu.memref_slice %arg2[%mul3A_0, %dma_start3A] : memref<2048x32xf32, #tpu.memory_space<hbm>> -> memref<128x32xf32, #tpu.memory_space<hbm>>
      %dma_start3A_18 = arith.constant 0 : i32
      %dma_start3A_19 = tpu.memref_slice %arg2[%mul3A_0, %dma_start3A_18] : memref<2048x32xf32, #tpu.memory_space<hbm>> -> memref<128x32xf32, #tpu.memory_space<hbm>>
      tpu.enqueue_dma source(%dma_start3A_19 : memref<128x32xf32, #tpu.memory_space<hbm>>) target(%arg5 : memref<128x32xf32, #tpu.memory_space<vmem>>) target_semaphore(%run_scoped3A : memref<!tpu.dma_semaphore, #tpu.memory_space<semaphore_mem>>)
      %dma_wait3A = arith.constant 0 : i32
      %dma_wait3A_20 = tpu.memref_slice %arg2[%mul3A_0, %dma_wait3A] : memref<2048x32xf32, #tpu.memory_space<hbm>> -> memref<128x32xf32, #tpu.memory_space<hbm>>
      %dma_wait3A_21 = arith.constant 0 : i32
      %dma_wait3A_22 = tpu.memref_slice %arg2[%mul3A_0, %dma_wait3A_21] : memref<2048x32xf32, #tpu.memory_space<hbm>> -> memref<128x32xf32, #tpu.memory_space<hbm>>
      tpu.wait_dma2 semaphore(%run_scoped3A : memref<!tpu.dma_semaphore, #tpu.memory_space<semaphore_mem>>) src(%dma_wait3A_22 : memref<128x32xf32, #tpu.memory_space<hbm>>) dst(%arg5 : memref<128x32xf32, #tpu.memory_space<vmem>>)
      tpu.yield
    }) : () -> ()
    "tpu.region"() ({
      %run_scoped3A = tpu.sem_alloc : memref<!tpu.dma_semaphore, #tpu.memory_space<semaphore_mem>>
      %dma_start3A = arith.constant 0 : i32
      %dma_start3A_17 = tpu.memref_slice %arg3[%mul3A_0, %dma_start3A] : memref<2048x32xf32, #tpu.memory_space<hbm>> -> memref<128x32xf32, #tpu.memory_space<hbm>>
      %dma_start3A_18 = arith.constant 0 : i32
      %dma_start3A_19 = tpu.memref_slice %arg3[%mul3A_0, %dma_start3A_18] : memref<2048x32xf32, #tpu.memory_space<hbm>> -> memref<128x32xf32, #tpu.memory_space<hbm>>
      tpu.enqueue_dma source(%dma_start3A_19 : memref<128x32xf32, #tpu.memory_space<hbm>>) target(%arg6 : memref<128x32xf32, #tpu.memory_space<vmem>>) target_semaphore(%run_scoped3A : memref<!tpu.dma_semaphore, #tpu.memory_space<semaphore_mem>>)
      %dma_wait3A = arith.constant 0 : i32
      %dma_wait3A_20 = tpu.memref_slice %arg3[%mul3A_0, %dma_wait3A] : memref<2048x32xf32, #tpu.memory_space<hbm>> -> memref<128x32xf32, #tpu.memory_space<hbm>>
      %dma_wait3A_21 = arith.constant 0 : i32
      %dma_wait3A_22 = tpu.memref_slice %arg3[%mul3A_0, %dma_wait3A_21] : memref<2048x32xf32, #tpu.memory_space<hbm>> -> memref<128x32xf32, #tpu.memory_space<hbm>>
      tpu.wait_dma2 semaphore(%run_scoped3A : memref<!tpu.dma_semaphore, #tpu.memory_space<semaphore_mem>>) src(%dma_wait3A_22 : memref<128x32xf32, #tpu.memory_space<hbm>>) dst(%arg6 : memref<128x32xf32, #tpu.memory_space<vmem>>)
      tpu.yield
    }) : () -> ()
    %broadcast_in_dim3A = arith.constant 0.000000e+00 : f32
    %broadcast_in_dim3A_1 = vector.broadcast %broadcast_in_dim3A : f32 to vector<16xf32>
    %scan3A = arith.constant 0 : i32
    %scan3A_2 = arith.constant 64 : i32
    %scan3A_3 = arith.addi %scan3A, %scan3A_2 : i32
    %scan3A_4 = arith.constant 1 : i32
    %scan3A_5:4 = scf.for %scan3A_17 = %scan3A to %scan3A_3 step %scan3A_4 iter_args(%scan3A_18 = %broadcast_in_dim3A_1, %scan3A_19 = %broadcast_in_dim3A_1, %scan3A_20 = %broadcast_in_dim3A_1, %scan3A_21 = %broadcast_in_dim3A_1) -> (vector<16xf32>, vector<16xf32>, vector<16xf32>, vector<16xf32>)  : i32 {
      %mul3A_22 = arith.constant 2 : i32
      %mul3A_23 = arith.muli %scan3A_17, %mul3A_22 : i32
      %get3A = arith.index_cast %mul3A_23 : i32 to index
      %get3A_24 = arith.constant 0 : index
      %get3A_25 = tpu.vector_load %arg5[%get3A, %get3A_24] {strides = array<i32>} : memref<128x32xf32, #tpu.memory_space<vmem>>, vector<1x16xf32>,
      %get3A_26 = vector.shape_cast %get3A_25 : vector<1x16xf32> to vector<16xf32>
      %get3A_27 = arith.index_cast %mul3A_23 : i32 to index
      %get3A_28 = arith.constant 0 : index
      %get3A_29 = tpu.vector_load %arg6[%get3A_27, %get3A_28] {strides = array<i32>} : memref<128x32xf32, #tpu.memory_space<vmem>>, vector<1x16xf32>,
      %get3A_30 = vector.shape_cast %get3A_29 : vector<1x16xf32> to vector<16xf32>
      %mul3A_31 = arith.mulf %get3A_26, %get3A_30 : vector<16xf32>
      %add3A_32 = arith.addf %scan3A_18, %mul3A_31 : vector<16xf32>
      %get3A_33 = arith.index_cast %mul3A_23 : i32 to index
      %get3A_34 = arith.constant 16 : index
      %get3A_35 = tpu.vector_load %arg5[%get3A_33, %get3A_34] {strides = array<i32>} : memref<128x32xf32, #tpu.memory_space<vmem>>, vector<1x16xf32>,
      %get3A_36 = vector.shape_cast %get3A_35 : vector<1x16xf32> to vector<16xf32>
      %get3A_37 = arith.index_cast %mul3A_23 : i32 to index
      %get3A_38 = arith.constant 16 : index
      %get3A_39 = tpu.vector_load %arg6[%get3A_37, %get3A_38] {strides = array<i32>} : memref<128x32xf32, #tpu.memory_space<vmem>>, vector<1x16xf32>,
      %get3A_40 = vector.shape_cast %get3A_39 : vector<1x16xf32> to vector<16xf32>
      %mul3A_41 = arith.mulf %get3A_36, %get3A_40 : vector<16xf32>
      %add3A_42 = arith.addf %scan3A_19, %mul3A_41 : vector<16xf32>
      %add3A_43 = arith.constant 1 : i32
      %add3A_44 = arith.addi %mul3A_23, %add3A_43 : i32
      %get3A_45 = arith.index_cast %add3A_44 : i32 to index
      %get3A_46 = arith.constant 0 : index
      %get3A_47 = tpu.vector_load %arg5[%get3A_45, %get3A_46] {strides = array<i32>} : memref<128x32xf32, #tpu.memory_space<vmem>>, vector<1x16xf32>,
      %get3A_48 = vector.shape_cast %get3A_47 : vector<1x16xf32> to vector<16xf32>
      %add3A_49 = arith.constant 1 : i32
      %add3A_50 = arith.addi %mul3A_23, %add3A_49 : i32
      %get3A_51 = arith.index_cast %add3A_50 : i32 to index
      %get3A_52 = arith.constant 0 : index
      %get3A_53 = tpu.vector_load %arg6[%get3A_51, %get3A_52] {strides = array<i32>} : memref<128x32xf32, #tpu.memory_space<vmem>>, vector<1x16xf32>,
      %get3A_54 = vector.shape_cast %get3A_53 : vector<1x16xf32> to vector<16xf32>
      %mul3A_55 = arith.mulf %get3A_48, %get3A_54 : vector<16xf32>
      %add3A_56 = arith.addf %scan3A_20, %mul3A_55 : vector<16xf32>
      %add3A_57 = arith.constant 1 : i32
      %add3A_58 = arith.addi %mul3A_23, %add3A_57 : i32
      %get3A_59 = arith.index_cast %add3A_58 : i32 to index
      %get3A_60 = arith.constant 16 : index
      %get3A_61 = tpu.vector_load %arg5[%get3A_59, %get3A_60] {strides = array<i32>} : memref<128x32xf32, #tpu.memory_space<vmem>>, vector<1x16xf32>,
      %get3A_62 = vector.shape_cast %get3A_61 : vector<1x16xf32> to vector<16xf32>
      %add3A_63 = arith.constant 1 : i32
      %add3A_64 = arith.addi %mul3A_23, %add3A_63 : i32
      %get3A_65 = arith.index_cast %add3A_64 : i32 to index
      %get3A_66 = arith.constant 16 : index
      %get3A_67 = tpu.vector_load %arg6[%get3A_65, %get3A_66] {strides = array<i32>} : memref<128x32xf32, #tpu.memory_space<vmem>>, vector<1x16xf32>,
      %get3A_68 = vector.shape_cast %get3A_67 : vector<1x16xf32> to vector<16xf32>
      %mul3A_69 = arith.mulf %get3A_62, %get3A_68 : vector<16xf32>
      %add3A_70 = arith.addf %scan3A_21, %mul3A_69 : vector<16xf32>
      scf.yield %add3A_32, %add3A_42, %add3A_56, %add3A_70 : vector<16xf32>, vector<16xf32>, vector<16xf32>, vector<16xf32>
    }
    %scan3A_6 = arith.constant 64 : i32
    %add3A = arith.addf %scan3A_5#0, %scan3A_5#2 : vector<16xf32>
    %swap3A = arith.constant 0 : index
    %swap3A_7 = tpu.vector_load %arg7[%swap3A] {strides = array<i32>} : memref<32xf32, #tpu.memory_space<vmem>>, vector<16xf32>,
    %swap3A_8 = vector.shape_cast %swap3A_7 : vector<16xf32> to vector<16xf32>
    %swap3A_9 = vector.shape_cast %add3A : vector<16xf32> to vector<16xf32>
    tpu.vector_store %arg7[%swap3A], %swap3A_9 {strides = array<i32>} : memref<32xf32, #tpu.memory_space<vmem>>, vector<16xf32>,
    %add3A_10 = arith.addf %scan3A_5#1, %scan3A_5#3 : vector<16xf32>
    %swap3A_11 = arith.constant 16 : index
    %swap3A_12 = tpu.vector_load %arg7[%swap3A_11] {strides = array<i32>} : memref<32xf32, #tpu.memory_space<vmem>>, vector<16xf32>,
    %swap3A_13 = vector.shape_cast %swap3A_12 : vector<16xf32> to vector<16xf32>
    %swap3A_14 = vector.shape_cast %add3A_10 : vector<16xf32> to vector<16xf32>
    tpu.vector_store %arg7[%swap3A_11], %swap3A_14 {strides = array<i32>} : memref<32xf32, #tpu.memory_space<vmem>>, vector<16xf32>,
    "tpu.region"() ({
      %run_scoped3A = tpu.sem_alloc : memref<!tpu.dma_semaphore, #tpu.memory_space<semaphore_mem>>
      %dma_start3A = arith.constant 0 : i32
      %dma_start3A_17 = tpu.memref_slice %arg10[%arg1, %dma_start3A] : memref<16x32xf32, #tpu.memory_space<vmem_shared>> -> memref<1x32xf32, #tpu.memory_space<vmem_shared>>
      %dma_start3A_18 = tpu.memref_squeeze %dma_start3A_17 : memref<1x32xf32, #tpu.memory_space<vmem_shared>> -> memref<32xf32, #tpu.memory_space<vmem_shared>>
      %dma_start3A_19 = arith.constant 0 : i32
      %dma_start3A_20 = tpu.memref_slice %arg10[%arg1, %dma_start3A_19] : memref<16x32xf32, #tpu.memory_space<vmem_shared>> -> memref<1x32xf32, #tpu.memory_space<vmem_shared>>
      %dma_start3A_21 = tpu.memref_squeeze %dma_start3A_20 : memref<1x32xf32, #tpu.memory_space<vmem_shared>> -> memref<32xf32, #tpu.memory_space<vmem_shared>>
      tpu.enqueue_dma source(%arg7 : memref<32xf32, #tpu.memory_space<vmem>>) target(%dma_start3A_21 : memref<32xf32, #tpu.memory_space<vmem_shared>>) target_semaphore(%run_scoped3A : memref<!tpu.dma_semaphore, #tpu.memory_space<semaphore_mem>>)
      %dma_wait3A = arith.constant 0 : i32
      %dma_wait3A_22 = tpu.memref_slice %arg10[%arg1, %dma_wait3A] : memref<16x32xf32, #tpu.memory_space<vmem_shared>> -> memref<1x32xf32, #tpu.memory_space<vmem_shared>>
      %dma_wait3A_23 = tpu.memref_squeeze %dma_wait3A_22 : memref<1x32xf32, #tpu.memory_space<vmem_shared>> -> memref<32xf32, #tpu.memory_space<vmem_shared>>
      %dma_wait3A_24 = arith.constant 0 : i32
      %dma_wait3A_25 = tpu.memref_slice %arg10[%arg1, %dma_wait3A_24] : memref<16x32xf32, #tpu.memory_space<vmem_shared>> -> memref<1x32xf32, #tpu.memory_space<vmem_shared>>
      %dma_wait3A_26 = tpu.memref_squeeze %dma_wait3A_25 : memref<1x32xf32, #tpu.memory_space<vmem_shared>> -> memref<32xf32, #tpu.memory_space<vmem_shared>>
      tpu.wait_dma2 semaphore(%run_scoped3A : memref<!tpu.dma_semaphore, #tpu.memory_space<semaphore_mem>>) src(%arg7 : memref<32xf32, #tpu.memory_space<vmem>>) dst(%dma_wait3A_26 : memref<32xf32, #tpu.memory_space<vmem_shared>>)
      tpu.yield
    }) : () -> ()
    %barrier3A = arith.constant 0 : index
    tpu.barrier barrier_id(%barrier3A)
    %eq3A = arith.constant 0 : i32
    %eq3A_15 = arith.cmpi eq, %arg1, %eq3A : i32
    %convert_element_type3A = arith.extui %eq3A_15 : i1 to i32
    %cond3A = arith.constant 0 : i32
    %cond3A_16 = arith.cmpi ne, %convert_element_type3A, %cond3A : i32
    scf.if %cond3A_16 {
      "tpu.region"() ({
        %run_scoped3A = tpu.sem_alloc : memref<!tpu.dma_semaphore, #tpu.memory_space<semaphore_mem>>
        tpu.enqueue_dma source(%arg10 : memref<16x32xf32, #tpu.memory_space<vmem_shared>>) target(%arg8 : memref<16x32xf32, #tpu.memory_space<vmem>>) target_semaphore(%run_scoped3A : memref<!tpu.dma_semaphore, #tpu.memory_space<semaphore_mem>>)
        tpu.wait_dma2 semaphore(%run_scoped3A : memref<!tpu.dma_semaphore, #tpu.memory_space<semaphore_mem>>) src(%arg10 : memref<16x32xf32, #tpu.memory_space<vmem_shared>>) dst(%arg8 : memref<16x32xf32, #tpu.memory_space<vmem>>)
        tpu.yield
      }) : () -> ()
      %get3A = arith.constant 0 : i32
      %get3A_17 = arith.index_cast %get3A : i32 to index
      %get3A_18 = arith.constant 0 : index
      %get3A_19 = tpu.vector_load %arg8[%get3A_17, %get3A_18] {strides = array<i32>} : memref<16x32xf32, #tpu.memory_space<vmem>>, vector<1x16xf32>,
      %get3A_20 = vector.shape_cast %get3A_19 : vector<1x16xf32> to vector<16xf32>
      %get3A_21 = arith.constant 0 : i32
      %get3A_22 = arith.index_cast %get3A_21 : i32 to index
      %get3A_23 = arith.constant 16 : index
      %get3A_24 = tpu.vector_load %arg8[%get3A_22, %get3A_23] {strides = array<i32>} : memref<16x32xf32, #tpu.memory_space<vmem>>, vector<1x16xf32>,
      %get3A_25 = vector.shape_cast %get3A_24 : vector<1x16xf32> to vector<16xf32>
      %get3A_26 = arith.constant 1 : i32
      %get3A_27 = arith.index_cast %get3A_26 : i32 to index
      %get3A_28 = arith.constant 0 : index
      %get3A_29 = tpu.vector_load %arg8[%get3A_27, %get3A_28] {strides = array<i32>} : memref<16x32xf32, #tpu.memory_space<vmem>>, vector<1x16xf32>,
      %get3A_30 = vector.shape_cast %get3A_29 : vector<1x16xf32> to vector<16xf32>
      %add3A_31 = arith.addf %get3A_20, %get3A_30 : vector<16xf32>
      %get3A_32 = arith.constant 1 : i32
      %get3A_33 = arith.index_cast %get3A_32 : i32 to index
      %get3A_34 = arith.constant 16 : index
      %get3A_35 = tpu.vector_load %arg8[%get3A_33, %get3A_34] {strides = array<i32>} : memref<16x32xf32, #tpu.memory_space<vmem>>, vector<1x16xf32>,
      %get3A_36 = vector.shape_cast %get3A_35 : vector<1x16xf32> to vector<16xf32>
      %add3A_37 = arith.addf %get3A_25, %get3A_36 : vector<16xf32>
      %get3A_38 = arith.constant 2 : i32
      %get3A_39 = arith.index_cast %get3A_38 : i32 to index
      %get3A_40 = arith.constant 0 : index
      %get3A_41 = tpu.vector_load %arg8[%get3A_39, %get3A_40] {strides = array<i32>} : memref<16x32xf32, #tpu.memory_space<vmem>>, vector<1x16xf32>,
      %get3A_42 = vector.shape_cast %get3A_41 : vector<1x16xf32> to vector<16xf32>
      %add3A_43 = arith.addf %add3A_31, %get3A_42 : vector<16xf32>
      %get3A_44 = arith.constant 2 : i32
      %get3A_45 = arith.index_cast %get3A_44 : i32 to index
      %get3A_46 = arith.constant 16 : index
      %get3A_47 = tpu.vector_load %arg8[%get3A_45, %get3A_46] {strides = array<i32>} : memref<16x32xf32, #tpu.memory_space<vmem>>, vector<1x16xf32>,
      %get3A_48 = vector.shape_cast %get3A_47 : vector<1x16xf32> to vector<16xf32>
      %add3A_49 = arith.addf %add3A_37, %get3A_48 : vector<16xf32>
      %get3A_50 = arith.constant 3 : i32
      %get3A_51 = arith.index_cast %get3A_50 : i32 to index
      %get3A_52 = arith.constant 0 : index
      %get3A_53 = tpu.vector_load %arg8[%get3A_51, %get3A_52] {strides = array<i32>} : memref<16x32xf32, #tpu.memory_space<vmem>>, vector<1x16xf32>,
      %get3A_54 = vector.shape_cast %get3A_53 : vector<1x16xf32> to vector<16xf32>
      %add3A_55 = arith.addf %add3A_43, %get3A_54 : vector<16xf32>
      %get3A_56 = arith.constant 3 : i32
      %get3A_57 = arith.index_cast %get3A_56 : i32 to index
      %get3A_58 = arith.constant 16 : index
      %get3A_59 = tpu.vector_load %arg8[%get3A_57, %get3A_58] {strides = array<i32>} : memref<16x32xf32, #tpu.memory_space<vmem>>, vector<1x16xf32>,
      %get3A_60 = vector.shape_cast %get3A_59 : vector<1x16xf32> to vector<16xf32>
      %add3A_61 = arith.addf %add3A_49, %get3A_60 : vector<16xf32>
      %get3A_62 = arith.constant 4 : i32
      %get3A_63 = arith.index_cast %get3A_62 : i32 to index
      %get3A_64 = arith.constant 0 : index
      %get3A_65 = tpu.vector_load %arg8[%get3A_63, %get3A_64] {strides = array<i32>} : memref<16x32xf32, #tpu.memory_space<vmem>>, vector<1x16xf32>,
      %get3A_66 = vector.shape_cast %get3A_65 : vector<1x16xf32> to vector<16xf32>
      %add3A_67 = arith.addf %add3A_55, %get3A_66 : vector<16xf32>
      %get3A_68 = arith.constant 4 : i32
      %get3A_69 = arith.index_cast %get3A_68 : i32 to index
      %get3A_70 = arith.constant 16 : index
      %get3A_71 = tpu.vector_load %arg8[%get3A_69, %get3A_70] {strides = array<i32>} : memref<16x32xf32, #tpu.memory_space<vmem>>, vector<1x16xf32>,
      %get3A_72 = vector.shape_cast %get3A_71 : vector<1x16xf32> to vector<16xf32>
      %add3A_73 = arith.addf %add3A_61, %get3A_72 : vector<16xf32>
      %get3A_74 = arith.constant 5 : i32
      %get3A_75 = arith.index_cast %get3A_74 : i32 to index
      %get3A_76 = arith.constant 0 : index
      %get3A_77 = tpu.vector_load %arg8[%get3A_75, %get3A_76] {strides = array<i32>} : memref<16x32xf32, #tpu.memory_space<vmem>>, vector<1x16xf32>,
      %get3A_78 = vector.shape_cast %get3A_77 : vector<1x16xf32> to vector<16xf32>
      %add3A_79 = arith.addf %add3A_67, %get3A_78 : vector<16xf32>
      %get3A_80 = arith.constant 5 : i32
      %get3A_81 = arith.index_cast %get3A_80 : i32 to index
      %get3A_82 = arith.constant 16 : index
      %get3A_83 = tpu.vector_load %arg8[%get3A_81, %get3A_82] {strides = array<i32>} : memref<16x32xf32, #tpu.memory_space<vmem>>, vector<1x16xf32>,
      %get3A_84 = vector.shape_cast %get3A_83 : vector<1x16xf32> to vector<16xf32>
      %add3A_85 = arith.addf %add3A_73, %get3A_84 : vector<16xf32>
      %get3A_86 = arith.constant 6 : i32
      %get3A_87 = arith.index_cast %get3A_86 : i32 to index
      %get3A_88 = arith.constant 0 : index
      %get3A_89 = tpu.vector_load %arg8[%get3A_87, %get3A_88] {strides = array<i32>} : memref<16x32xf32, #tpu.memory_space<vmem>>, vector<1x16xf32>,
      %get3A_90 = vector.shape_cast %get3A_89 : vector<1x16xf32> to vector<16xf32>
      %add3A_91 = arith.addf %add3A_79, %get3A_90 : vector<16xf32>
      %get3A_92 = arith.constant 6 : i32
      %get3A_93 = arith.index_cast %get3A_92 : i32 to index
      %get3A_94 = arith.constant 16 : index
      %get3A_95 = tpu.vector_load %arg8[%get3A_93, %get3A_94] {strides = array<i32>} : memref<16x32xf32, #tpu.memory_space<vmem>>, vector<1x16xf32>,
      %get3A_96 = vector.shape_cast %get3A_95 : vector<1x16xf32> to vector<16xf32>
      %add3A_97 = arith.addf %add3A_85, %get3A_96 : vector<16xf32>
      %get3A_98 = arith.constant 7 : i32
      %get3A_99 = arith.index_cast %get3A_98 : i32 to index
      %get3A_100 = arith.constant 0 : index
      %get3A_101 = tpu.vector_load %arg8[%get3A_99, %get3A_100] {strides = array<i32>} : memref<16x32xf32, #tpu.memory_space<vmem>>, vector<1x16xf32>,
      %get3A_102 = vector.shape_cast %get3A_101 : vector<1x16xf32> to vector<16xf32>
      %add3A_103 = arith.addf %add3A_91, %get3A_102 : vector<16xf32>
      %get3A_104 = arith.constant 7 : i32
      %get3A_105 = arith.index_cast %get3A_104 : i32 to index
      %get3A_106 = arith.constant 16 : index
      %get3A_107 = tpu.vector_load %arg8[%get3A_105, %get3A_106] {strides = array<i32>} : memref<16x32xf32, #tpu.memory_space<vmem>>, vector<1x16xf32>,
      %get3A_108 = vector.shape_cast %get3A_107 : vector<1x16xf32> to vector<16xf32>
      %add3A_109 = arith.addf %add3A_97, %get3A_108 : vector<16xf32>
      %get3A_110 = arith.constant 8 : i32
      %get3A_111 = arith.index_cast %get3A_110 : i32 to index
      %get3A_112 = arith.constant 0 : index
      %get3A_113 = tpu.vector_load %arg8[%get3A_111, %get3A_112] {strides = array<i32>} : memref<16x32xf32, #tpu.memory_space<vmem>>, vector<1x16xf32>,
      %get3A_114 = vector.shape_cast %get3A_113 : vector<1x16xf32> to vector<16xf32>
      %add3A_115 = arith.addf %add3A_103, %get3A_114 : vector<16xf32>
      %get3A_116 = arith.constant 8 : i32
      %get3A_117 = arith.index_cast %get3A_116 : i32 to index
      %get3A_118 = arith.constant 16 : index
      %get3A_119 = tpu.vector_load %arg8[%get3A_117, %get3A_118] {strides = array<i32>} : memref<16x32xf32, #tpu.memory_space<vmem>>, vector<1x16xf32>,
      %get3A_120 = vector.shape_cast %get3A_119 : vector<1x16xf32> to vector<16xf32>
      %add3A_121 = arith.addf %add3A_109, %get3A_120 : vector<16xf32>
      %get3A_122 = arith.constant 9 : i32
      %get3A_123 = arith.index_cast %get3A_122 : i32 to index
      %get3A_124 = arith.constant 0 : index
      %get3A_125 = tpu.vector_load %arg8[%get3A_123, %get3A_124] {strides = array<i32>} : memref<16x32xf32, #tpu.memory_space<vmem>>, vector<1x16xf32>,
      %get3A_126 = vector.shape_cast %get3A_125 : vector<1x16xf32> to vector<16xf32>
      %add3A_127 = arith.addf %add3A_115, %get3A_126 : vector<16xf32>
      %get3A_128 = arith.constant 9 : i32
      %get3A_129 = arith.index_cast %get3A_128 : i32 to index
      %get3A_130 = arith.constant 16 : index
      %get3A_131 = tpu.vector_load %arg8[%get3A_129, %get3A_130] {strides = array<i32>} : memref<16x32xf32, #tpu.memory_space<vmem>>, vector<1x16xf32>,
      %get3A_132 = vector.shape_cast %get3A_131 : vector<1x16xf32> to vector<16xf32>
      %add3A_133 = arith.addf %add3A_121, %get3A_132 : vector<16xf32>
      %get3A_134 = arith.constant 10 : i32
      %get3A_135 = arith.index_cast %get3A_134 : i32 to index
      %get3A_136 = arith.constant 0 : index
      %get3A_137 = tpu.vector_load %arg8[%get3A_135, %get3A_136] {strides = array<i32>} : memref<16x32xf32, #tpu.memory_space<vmem>>, vector<1x16xf32>,
      %get3A_138 = vector.shape_cast %get3A_137 : vector<1x16xf32> to vector<16xf32>
      %add3A_139 = arith.addf %add3A_127, %get3A_138 : vector<16xf32>
      %get3A_140 = arith.constant 10 : i32
      %get3A_141 = arith.index_cast %get3A_140 : i32 to index
      %get3A_142 = arith.constant 16 : index
      %get3A_143 = tpu.vector_load %arg8[%get3A_141, %get3A_142] {strides = array<i32>} : memref<16x32xf32, #tpu.memory_space<vmem>>, vector<1x16xf32>,
      %get3A_144 = vector.shape_cast %get3A_143 : vector<1x16xf32> to vector<16xf32>
      %add3A_145 = arith.addf %add3A_133, %get3A_144 : vector<16xf32>
      %get3A_146 = arith.constant 11 : i32
      %get3A_147 = arith.index_cast %get3A_146 : i32 to index
      %get3A_148 = arith.constant 0 : index
      %get3A_149 = tpu.vector_load %arg8[%get3A_147, %get3A_148] {strides = array<i32>} : memref<16x32xf32, #tpu.memory_space<vmem>>, vector<1x16xf32>,
      %get3A_150 = vector.shape_cast %get3A_149 : vector<1x16xf32> to vector<16xf32>
      %add3A_151 = arith.addf %add3A_139, %get3A_150 : vector<16xf32>
      %get3A_152 = arith.constant 11 : i32
      %get3A_153 = arith.index_cast %get3A_152 : i32 to index
      %get3A_154 = arith.constant 16 : index
      %get3A_155 = tpu.vector_load %arg8[%get3A_153, %get3A_154] {strides = array<i32>} : memref<16x32xf32, #tpu.memory_space<vmem>>, vector<1x16xf32>,
      %get3A_156 = vector.shape_cast %get3A_155 : vector<1x16xf32> to vector<16xf32>
      %add3A_157 = arith.addf %add3A_145, %get3A_156 : vector<16xf32>
      %get3A_158 = arith.constant 12 : i32
      %get3A_159 = arith.index_cast %get3A_158 : i32 to index
      %get3A_160 = arith.constant 0 : index
      %get3A_161 = tpu.vector_load %arg8[%get3A_159, %get3A_160] {strides = array<i32>} : memref<16x32xf32, #tpu.memory_space<vmem>>, vector<1x16xf32>,
      %get3A_162 = vector.shape_cast %get3A_161 : vector<1x16xf32> to vector<16xf32>
      %add3A_163 = arith.addf %add3A_151, %get3A_162 : vector<16xf32>
      %get3A_164 = arith.constant 12 : i32
      %get3A_165 = arith.index_cast %get3A_164 : i32 to index
      %get3A_166 = arith.constant 16 : index
      %get3A_167 = tpu.vector_load %arg8[%get3A_165, %get3A_166] {strides = array<i32>} : memref<16x32xf32, #tpu.memory_space<vmem>>, vector<1x16xf32>,
      %get3A_168 = vector.shape_cast %get3A_167 : vector<1x16xf32> to vector<16xf32>
      %add3A_169 = arith.addf %add3A_157, %get3A_168 : vector<16xf32>
      %get3A_170 = arith.constant 13 : i32
      %get3A_171 = arith.index_cast %get3A_170 : i32 to index
      %get3A_172 = arith.constant 0 : index
      %get3A_173 = tpu.vector_load %arg8[%get3A_171, %get3A_172] {strides = array<i32>} : memref<16x32xf32, #tpu.memory_space<vmem>>, vector<1x16xf32>,
      %get3A_174 = vector.shape_cast %get3A_173 : vector<1x16xf32> to vector<16xf32>
      %add3A_175 = arith.addf %add3A_163, %get3A_174 : vector<16xf32>
      %get3A_176 = arith.constant 13 : i32
      %get3A_177 = arith.index_cast %get3A_176 : i32 to index
      %get3A_178 = arith.constant 16 : index
      %get3A_179 = tpu.vector_load %arg8[%get3A_177, %get3A_178] {strides = array<i32>} : memref<16x32xf32, #tpu.memory_space<vmem>>, vector<1x16xf32>,
      %get3A_180 = vector.shape_cast %get3A_179 : vector<1x16xf32> to vector<16xf32>
      %add3A_181 = arith.addf %add3A_169, %get3A_180 : vector<16xf32>
      %get3A_182 = arith.constant 14 : i32
      %get3A_183 = arith.index_cast %get3A_182 : i32 to index
      %get3A_184 = arith.constant 0 : index
      %get3A_185 = tpu.vector_load %arg8[%get3A_183, %get3A_184] {strides = array<i32>} : memref<16x32xf32, #tpu.memory_space<vmem>>, vector<1x16xf32>,
      %get3A_186 = vector.shape_cast %get3A_185 : vector<1x16xf32> to vector<16xf32>
      %add3A_187 = arith.addf %add3A_175, %get3A_186 : vector<16xf32>
      %get3A_188 = arith.constant 14 : i32
      %get3A_189 = arith.index_cast %get3A_188 : i32 to index
      %get3A_190 = arith.constant 16 : index
      %get3A_191 = tpu.vector_load %arg8[%get3A_189, %get3A_190] {strides = array<i32>} : memref<16x32xf32, #tpu.memory_space<vmem>>, vector<1x16xf32>,
      %get3A_192 = vector.shape_cast %get3A_191 : vector<1x16xf32> to vector<16xf32>
      %add3A_193 = arith.addf %add3A_181, %get3A_192 : vector<16xf32>
      %get3A_194 = arith.constant 15 : i32
      %get3A_195 = arith.index_cast %get3A_194 : i32 to index
      %get3A_196 = arith.constant 0 : index
      %get3A_197 = tpu.vector_load %arg8[%get3A_195, %get3A_196] {strides = array<i32>} : memref<16x32xf32, #tpu.memory_space<vmem>>, vector<1x16xf32>,
      %get3A_198 = vector.shape_cast %get3A_197 : vector<1x16xf32> to vector<16xf32>
      %add3A_199 = arith.addf %add3A_187, %get3A_198 : vector<16xf32>
      %get3A_200 = arith.constant 15 : i32
      %get3A_201 = arith.index_cast %get3A_200 : i32 to index
      %get3A_202 = arith.constant 16 : index
      %get3A_203 = tpu.vector_load %arg8[%get3A_201, %get3A_202] {strides = array<i32>} : memref<16x32xf32, #tpu.memory_space<vmem>>, vector<1x16xf32>,
      %get3A_204 = vector.shape_cast %get3A_203 : vector<1x16xf32> to vector<16xf32>
      %add3A_205 = arith.addf %add3A_193, %get3A_204 : vector<16xf32>
      %swap3A_206 = arith.constant 0 : index
      %swap3A_207 = tpu.vector_load %arg9[%swap3A_206] {strides = array<i32>} : memref<32xf32, #tpu.memory_space<vmem>>, vector<16xf32>,
      %swap3A_208 = vector.shape_cast %swap3A_207 : vector<16xf32> to vector<16xf32>
      %swap3A_209 = vector.shape_cast %add3A_199 : vector<16xf32> to vector<16xf32>
      tpu.vector_store %arg9[%swap3A_206], %swap3A_209 {strides = array<i32>} : memref<32xf32, #tpu.memory_space<vmem>>, vector<16xf32>,
      %swap3A_210 = arith.constant 16 : index
      %swap3A_211 = tpu.vector_load %arg9[%swap3A_210] {strides = array<i32>} : memref<32xf32, #tpu.memory_space<vmem>>, vector<16xf32>,
      %swap3A_212 = vector.shape_cast %swap3A_211 : vector<16xf32> to vector<16xf32>
      %swap3A_213 = vector.shape_cast %add3A_205 : vector<16xf32> to vector<16xf32>
      tpu.vector_store %arg9[%swap3A_210], %swap3A_213 {strides = array<i32>} : memref<32xf32, #tpu.memory_space<vmem>>, vector<16xf32>,
      "tpu.region"() ({
        %run_scoped3A = tpu.sem_alloc : memref<!tpu.dma_semaphore, #tpu.memory_space<semaphore_mem>>
        tpu.enqueue_dma source(%arg9 : memref<32xf32, #tpu.memory_space<vmem>>) target(%arg4 : memref<32xf32, #tpu.memory_space<hbm>>) target_semaphore(%run_scoped3A : memref<!tpu.dma_semaphore, #tpu.memory_space<semaphore_mem>>)
        tpu.wait_dma2 semaphore(%run_scoped3A : memref<!tpu.dma_semaphore, #tpu.memory_space<semaphore_mem>>) src(%arg9 : memref<32xf32, #tpu.memory_space<vmem>>) dst(%arg4 : memref<32xf32, #tpu.memory_space<hbm>>)
        tpu.yield
      }) : () -> ()
    } else {
    }
    return
  }
}

</mosaic_0001>

<sc_bundles>
// kernel: _run.3.cloned.1.call-start
scs
__scs_entry_jumppad:
0x0: {  	(pc) =	sbr.rel $0x88, $3  }
0x1: {  	(tag) =	ssettag $0x0;
	lr =	simm.s32 $0x1  }
0x2: {  	[smem:$0x3F9F] =	sst lr;
	_ =	strace $0xD0000000  }
0x3: {  	_ = 	snop  }
0x4: {  	_ = 	snop  }
0x5: {  	_ = 	snop  }
0x6: {  	_ = 	snop  }
0x7: {  	_ = 	snop  }
__scs_overlays_trampoline_lowered:
0x8: {  	[smem:$0x3FAE] =	sst s0  }
0x9: {  	[smem:$0x3FAF] =	sst s1  }
0xa: {  	[smem:$0x3FB0] =	sst s2  }
0xb: {  	[smem:$0x3FB1] =	sst s3  }
0xc: {  	[smem:$0x3FB2] =	sst s4  }
0xd: {  	[smem:$0x3FB3] =	sst s5  }
0xe: {  	[smem:$0x3FB4] =	sst s6  }
0xf: {  	[smem:$0x3FB5] =	sst s7  }
0x10: {  	[smem:$0x3FB6] =	sst s8  }
0x11: {  	[smem:$0x3FB7] =	sst s9;
	s0 =	simm.s32 @!p0 $0x0  }
0x12: {  	s1 =	sld [smem:$0x3F9D];
	s0 =	simm.s32 @p0 $0x1  }
0x13: {  	[smem:$0x3FB8] =	sst s0;
	s0 =	simm.s32 @!p1 $0x0  }
0x14: {  	s2 =	sld [smem:$0x3F9C];
	s0 =	simm.s32 @p1 $0x1  }
0x15: {  	[smem:$0x3FB9] =	sst s0;
	s0 =	simm.s32 @!p2 $0x0  }
0x16: {  	s3 =	sld [smem:$0x3FDB];
	s0 =	simm.s32 @p2 $0x1  }
0x17: {  	s4 =	simm.s32 $0x1BF5;
	[smem:$0x3FBB] =	sst s0  }
0x18: {  	s0 =	sld [smem:$0x3F9E];
	_ =	swait.ge [sflag:s4], $0x0  }
0x19: {  	s7 =	sld [smem:$0x3F9F]  }
0x1a: {  	s8 =	sadd.s32 $0xFFFFE003, lr  }
0x1b: {  	s9 =	sadd.s32 $0xFFFFFEF7, lr;
	s5 =	simm.s32 $0xFFFFFFFF;
	p2 =	slt.u32 s8, $0xFFFFF086  }
0x1c: {  	p1 =	slt.u32 s9, $0xF7A;
	s5 =	simm.s32 @!p2 $0x0  }
0x1d: {  	s5 =	simm.s32 @p1 $0x1;
	p0 =	seq.s32 s7, s2  }
0x1e: {  	s7 =	smul.u32 @!p0 $0xF7A, s2;
	p2 =	seq.s32 @!p0 s5, $0x0  }
0x1f: {  	s9 =	smul.u32 $0xF7A, s1;
	s8 =	simm.s32 @!p0 $0x1BF5;
	p2 =	por !p2, p0  }
0x20: {  	[sflag:s8] =	ssyncset.s32 @!p0 $0xFFFFF086;
	s6 =	sadd.s32 @!p0 s3, s7;
	s7 =	simm.s32 @!p0 $0x108  }
0x21: {  	s3 =	sadd.s32 s3, s9;
	s6 =	sadd.s32 @!p0 $0x88, s6;
	s7 =	simm.s32 @p2 $0x1082  }
0x22: {  	[simem:s7], [sflag:s8] =	dma.local @!p0 [hbm:s6], $0xF7A  }
0x23: {  	s9 =	sor.u32 $0xD0000000, s2;
	s6 =	simm.s32 $0x108;
	_ =	swait.ge @!p0 [sflag:s8], $0x0  }
0x24: {  	s3 =	sadd.s32 $0x88, s3;
	s6 =	simm.s32 @!p1 $0x1082;
	[sflag:s4] =	ssyncset.s32 $0xFFFFF086  }
0x25: {  	[simem:s6], [sflag:s4] =	dma.local [hbm:s3], $0xF7A  }
0x26: {  	[smem:$0x3F9F] =	sst s1;
	(tag) =	ssettag s2;
	_ =	strace s9  }
0x27: {  	s1 =	sld [smem:$0x3FAF]  }
0x28: {  	s2 =	sld [smem:$0x3FB0]  }
0x29: {  	s4 =	sld [smem:$0x3FB2]  }
0x2a: {  	p0 =	seq.s32 s5, $0x0;
	s5 =	sld [smem:$0x3FB3]  }
0x2b: {  	s6 =	sld [smem:$0x3FB4]  }
0x2c: {  	s7 =	sld [smem:$0x3FB5]  }
0x2d: {  	s3 =	simm.s32 $0x108;
	s8 =	sld [smem:$0x3FB6]  }
0x2e: {  	s3 =	simm.s32 @!p0 $0x1082;
	s9 =	sld [smem:$0x3FB7]  }
0x2f: {  	lr =	sadd.s32 s0, s3;
	s0 =	sld [smem:$0x3FAE]  }
0x30: {  	s3 =	sld [smem:$0x3FB1]  }
0x31: {  	[smem:$0x3FBA] =	sst s10  }
0x32: {  	s10 =	sld [smem:$0x3FB8];
	_ =	sdelay $0x3  }
0x33: {  	p0 =	seq.s32 s10, $0x1;
	s10 =	sld [smem:$0x3FBA];
	_ =	sdelay $0x3  }
0x34: {  	[smem:$0x3FBA] =	sst s10  }
0x35: {  	s10 =	sld [smem:$0x3FB9];
	_ =	sdelay $0x3  }
0x36: {  	p1 =	seq.s32 s10, $0x1;
	s10 =	sld [smem:$0x3FBA];
	_ =	sdelay $0x3  }
0x37: {  	[smem:$0x3FBA] =	sst s10  }
0x38: {  	s10 =	sld [smem:$0x3FBB]  }
0x39: {  	_ = 	snop;
	(pc) =	sbr.ind lr, $3  }
0x3a: {  	_ = 	snop  }
0x3b: {  	_ = 	snop  }
0x3c: {  	p2 =	seq.s32 s10, $0x1;
	s10 =	sld [smem:$0x3FBA]  }
0x3d: {  	_ =	shalt  }
0x3e: {  	_ =	shalt  }
0x3f: {  	_ =	shalt  }
0x40: {  	_ =	shalt  }
0x41: {  	_ =	shalt  }
0x42: {  	_ =	shalt  }
0x43: {  	_ =	shalt  }
0x44: {  	_ =	shalt  }
0x45: {  	_ =	shalt  }
0x46: {  	_ =	shalt  }
0x47: {  	_ =	shalt  }
0x48: {  	_ =	shalt  }
0x49: {  	_ =	shalt  }
0x4a: {  	_ =	shalt  }
0x4b: {  	_ =	shalt  }
0x4c: {  	_ =	shalt  }
0x4d: {  	_ =	shalt  }
0x4e: {  	_ =	shalt  }
0x4f: {  	_ =	shalt  }
0x50: {  	_ =	shalt  }
0x51: {  	_ =	shalt  }
0x52: {  	_ =	shalt  }
0x53: {  	_ =	shalt  }
0x54: {  	_ =	shalt  }
0x55: {  	_ =	shalt  }
0x56: {  	_ =	shalt  }
0x57: {  	_ =	shalt  }
0x58: {  	_ =	shalt  }
0x59: {  	_ =	shalt  }
0x5a: {  	_ =	shalt  }
0x5b: {  	_ =	shalt  }
0x5c: {  	_ =	shalt  }
0x5d: {  	_ =	shalt  }
0x5e: {  	_ =	shalt  }
0x5f: {  	_ =	shalt  }
0x60: {  	_ =	shalt  }
0x61: {  	_ =	shalt  }
0x62: {  	_ =	shalt  }
0x63: {  	_ =	shalt  }
0x64: {  	_ =	shalt  }
0x65: {  	_ =	shalt  }
0x66: {  	_ =	shalt  }
0x67: {  	_ =	shalt  }
0x68: {  	_ =	shalt  }
0x69: {  	_ =	shalt  }
0x6a: {  	_ =	shalt  }
0x6b: {  	_ =	shalt  }
0x6c: {  	_ =	shalt  }
0x6d: {  	_ =	shalt  }
0x6e: {  	_ =	shalt  }
0x6f: {  	_ =	shalt  }
0x70: {  	_ =	shalt  }
0x71: {  	_ =	shalt  }
0x72: {  	_ =	shalt  }
0x73: {  	_ =	shalt  }
0x74: {  	_ =	shalt  }
0x75: {  	_ =	shalt  }
0x76: {  	_ =	shalt  }
0x77: {  	_ =	shalt  }
0x78: {  	_ =	shalt  }
0x79: {  	_ =	shalt  }
0x7a: {  	_ =	shalt  }
0x7b: {  	_ =	shalt  }
0x7c: {  	_ =	shalt  }
0x7d: {  	_ =	shalt  }
0x7e: {  	_ =	shalt  }
0x7f: {  	_ =	shalt  }
0x80: {  	_ =	shalt  }
0x81: {  	_ =	shalt  }
0x82: {  	_ =	shalt  }
0x83: {  	_ =	shalt  }
0x84: {  	_ =	shalt  }
0x85: {  	_ =	shalt  }
0x86: {  	_ =	shalt  }
0x87: {  	_ =	shalt  }
.Lfunc_end0:
.L_simem_size_0:
called_computation_lowered:
.L_overlay_start_0:
0x88: {  	s0 =	sld [smem:$0x3FD9]  }
0x89: {  	s1 =	sld [smem:$0x3FFE];
	_ =	sdelay $0x3  }
0x8a: {  	s0 =	sadd.s32 s1, s0  }
0x8b: {  	[smem:$0x3FC6] =	sst s0  }
0x8c: {  	_ = 	snop  }
0x8d: {  	s0 =	sld [smem:$0x3FD0];
	(tm) =	ssettm $0x1  }
0x8e: {  	s16 =	sld [smem:$0x3FFB];
	_ =	sdelay $0x3  }
0x8f: {  	_ =	strace s16  }
0x90: {  	s1 =	sld [smem:$0x3FFC];
	_ =	sdelay $0x3  }
0x91: {  	_ =	strace s1  }
0x92: {  	s1 =	sld [smem:$0x3FFD];
	_ =	sdelay $0x3  }
0x93: {  	_ =	strace s1  }
0x94: {  	_ =	strace $0x8FFFFFFF  }
0x95: {  	s17 =	sld [smem:$0x3FDB];
	_ =	sdelay $0x1  }
0x96: {  	s2 =	simm.s32 $_scs_section_size  }
0x97: {  	s3 =	simm.s32 $_size__tile_overlayer_lowered;
	s4 =	simm.s32 $_tile_overlayer_lowered  }
0x98: {  	s20 =	simm.s32 $0x1BFF;
	s19 =	sshll.u32 s4, $0x1;
	s1 =	sadd.s32 s2, s17  }
0x99: {  	s5 =	simm.s32 $0x0;
	s18 =	sshll.u32 s3, $0x1;
	s3 =	sadd.s32 s19, s1  }
0x9a: {  	[timem:s5], [sflag:s20] =	dma.local [hbm:s3], s18  }
0x9b: {  	_ =	swait.ge [sflag:s20], s18  }
0x9c: {  	s2 =	ssub.s32 $0x0, s18;
	[sflag:s20] =	ssyncset.done $0x0  }
0x9d: {  	[sflag:s20] =	ssyncadd.s32 s2;
	_ =	sdelay $0x1  }
0x9e: {  	s21 =	simm.s32 $0x1B8B  }
0x9f: {  	_ =	swait.ge [sflag:s21], $0x1  }
0xa0: {  	[sflag:s21] =	ssyncset.done $0x0  }
0xa1: {  	s23 =	simm.s32 $0x1B8E;
	s22 =	sld [smem:$0x3FFE];
	[sflag:s21] =	ssyncadd.s32 $0xFFFFFFFF  }
0xa2: {  	s24 =	simm.s32 $execute0_lowered;
	[smem:$0x3FD2] =	sst s23  }
0xa3: {  	s3 =	sshll.u32 s24, $0x1;
	_ =	strace $0x80000046;
	[dreg:$0x1] =	wrdreg $0xFFFFFFFF  }
0xa4: {  	s25 =	simm.s32 $_size_execute0_lowered;
	s1 =	sadd.s32 s1, s3;
	[dreg:$0x0] =	wrdreg $0x0  }
0xa5: {  	s3 =	sshll.u32 s25, $0x1;
	[dreg:$0x2] =	wrdreg s1  }
0xa6: {  	[dreg:$0x3] =	wrdreg s3  }
0xa7: {  	[dreg:$0x4] =	wrdreg $0xC0  }
0xa8: {  	_ =	task [dreg:s5], $0x5FFFF  }
0xa9: {  	[dreg:$0x1] =	wrdreg $0xFFFFFFFF  }
0xaa: {  	[dreg:$0x0] =	wrdreg $0x60  }
0xab: {  	[dreg:$0x2] =	wrdreg s22  }
0xac: {  	[dreg:$0x3] =	wrdreg s0  }
0xad: {  	[dreg:$0x4] =	wrdreg $0x22400  }
0xae: {  	[dreg:$0x5] =	wrdreg $0x9  }
0xaf: {  	_ =	task.clear_ibuf [dreg:s5], $0x6FFFF;
	_ =	strace $0x90000046  }
0xb0: {  	s26 =	simm.s32 $0x9;
	_ =	strace $0x80000048  }
0xb1: {  	_ =	swait.ge [sflag:s26], $0x1  }
0xb2: {  	[sflag:s26] =	ssyncadd.s32 $0xFFFFFFFF  }
0xb3: {  	_ =	strace $0x90000048  }
0xb4: {  	_ =	sfence  }
0xb5: {  	s28 =	sld [smem:$0x0];
	_ =	sdelay $0x1  }
0xb6: {  	s29 =	srdreg.scid  }
0xb7: {  	s30 =	sshll.u32 s29, $0xD;
	s31 =	sshrl.u32 s29, $0x2  }
0xb8: {  	s2 =	sand.u32 $0x4000, s30;
	s1 =	sand.u32 $0x1, s29;
	s0 =	sadd.s32 s31, s28  }
0xb9: {  	s1 =	sor.u32 s2, s1;
	s0 =	sshll.u32 s0, $0x11  }
0xba: {  	s0 =	sor.u32 s0, s1  }
0xbb: {  	s0 =	sadd.s32 $0x8F2B, s0  }
0xbc: {  	[sflag:s0] =	ssyncadd.remote.s32 $0x1  }
0xbd: {  	_ =	sfence.sel $0xFFFF  }
0xbe: {  	[dreg:$0x0] =	wrdreg $0xFFFFFFFF;
	(pc) =	sbr.abs _section_cstart, $3  }
0xbf: {  	[dreg:$0x1] =	wrdreg $0xFFFFFFFF  }
0xc0: {  	_ =	task.clear_ibuf [dreg:s5], $0x2FFFF;
	_ =	strace $0x9FFFFFFF  }
0xc1: {  	(tm) =	ssettm $0x7FFFFFFF  }
tec
execute0_lowered:
.L_overlay_start_1:
0x0: {  	(tag) =	ssettag $0x1  }
0x1: {  	s4 =	rddreg [dreg:$0x0]  }
0x2: {  	s1 =	rddreg [dreg:$0x1]  }
0x3: {  	s2 =	rddreg [dreg:$0x2];
	s3 =	stileid.u32  }
0x4: {  	s0 =	rddreg [dreg:$0x3];
	s5 =	simm.s32 $0x0;
	s6 =	sshll.u32 s3, $0x9  }
0x5: {  	[smem:$0x7FF] =	sst s5;
	s4 =	sadd.s32 s6, s4  }
0x6: {  	s30 =	simm.s32 $0x1;
	_ =	strace $0x80000047;
	s6 =	sadd.s32 $0x600, s4  }
0x7: {  	[tilespmem:s5], [sflag:$0x1] =	stream.linear.gather [hbm4b:s6+s5], $0x1000, $0x38;
	[tilespmem:$0x2260] =	vst v63  }
0x8: {  	_ =	swait.ge [sflag:s30], $0x1000  }
0x9: {  	[sflag:s30] =	ssyncset.done $0x0  }
0xa: {  	s7 =	simm.s32 $0x1000;
	s4 =	sadd.s32 $0x2600, s4;
	[sflag:s30] =	ssyncadd.s32 $0xFFFFF000  }
0xb: {  	[tilespmem:s7], [sflag:$0x1] =	stream.linear.gather [hbm4b:s4+s5], $0x1000, $0x38;
	[tilespmem:$0x2260] =	vst v63  }
0xc: {  	_ =	swait.ge [sflag:s30], $0x1000  }
0xd: {  	[sflag:s30] =	ssyncset.done $0x0  }
0xe: {  	s31 =	simm.s32 $0x0;
	[sflag:s30] =	ssyncadd.s32 $0xFFFFF000  }
0xf: {  	v0 =	vld [tilespmem:s31+$0x30]  }
0x10: {  	v2 =	vld [tilespmem:s31+$0x1030]  }
0x11: {  	v3 =	vld [tilespmem:s31+$0x0]  }
0x12: {  	v6 =	vld [tilespmem:s31+$0x1000]  }
0x13: {  	v1 =	vld [tilespmem:s31+$0x10]  }
0x14: {  	v5 =	vld [tilespmem:s31+$0x1010]  }
0x15: {  	v4 =	vld [tilespmem:s31+$0x20];
	v0 =	vmul.f32 v2, v0  }
0x16: {  	v7 =	vimm.f32 $0.0e+00;
	s4 =	simm.s32 $0x40;
	v8 =	vld [tilespmem:s31+$0x1020];
	v2 =	vimm.f32 $0.0e+00  }
0x17: {  	s5 =	simm.s32 $0x200;
	v9 =	vmul.f32 v6, v3;
	v6 =	vld [tilespmem:s4+$0x30];
	v3 =	vimm.f32 $0.0e+00;
	v0 =	vadd.f32 v0, v2  }
.LBB2_1:
0x18: {  	p0 =	sne.s32 s5, $0x3F00;
	v10 =	vld [tilespmem:s4+$0x1030]  }
0x19: {  	v11 =	vld [tilespmem:s4+$0x0];
	v2 =	vadd.f32 v9, v2;
	v5 =	vmul.f32 v5, v1  }
0x1a: {  	v9 =	vld [tilespmem:s4+$0x1000]  }
.Ltmp0:
0x1b: {  	v1 =	vld [tilespmem:s4+$0x10];
	v3 =	vadd.f32 v5, v3;
	v8 =	vmul.f32 v8, v4;
	(pc) =	sbr.rel @p0 .LBB2_1-.Ltmp0, $4  }
0x1c: {  	v5 =	vld [tilespmem:s4+$0x1010]  }
0x1d: {  	v4 =	vld [tilespmem:s4+$0x20];
	v10 =	vmul.f32 v10, v6;
	v7 =	vadd.f32 v8, v7  }
0x1e: {  	v8 =	vld [tilespmem:s4+$0x1020];
	s4 =	sshra.s32 s5, $0x2  }
0x1f: {  	s5 =	sadd.s32 $0x100, s5;
	v6 =	vld [tilespmem:s4+$0x30];
	v9 =	vmul.f32 v9, v11;
	v0 =	vadd.f32 v10, v0  }
0x20: {  	v10 =	vld [tilespmem:s4+$0x1030]  }
0x21: {  	v11 =	vld [tilespmem:s4+$0x0]  }
0x22: {  	v12 =	vld [tilespmem:s4+$0x1000]  }
0x23: {  	v13 =	vld [tilespmem:s4+$0x10]  }
0x24: {  	v14 =	vld [tilespmem:s4+$0x20]  }
0x25: {  	v15 =	vld [tilespmem:s4+$0x1020]  }
0x26: {  	v16 =	vld [tilespmem:s4+$0x1010];
	_ =	sdelay $0x1  }
0x27: {  	v4 =	vmul.f32 v8, v4  }
0x28: {  	v2 =	vadd.f32 v9, v2;
	v1 =	vmul.f32 v5, v1  }
0x29: {  	v4 =	vadd.f32 v4, v7;
	v60 =	vmul.f32 v12, v11;
	v61 =	vmul.f32 v15, v14  }
0x2a: {  	v1 =	vadd.f32 v1, v3;
	v62 =	vmul.f32 v10, v6;
	v63 =	vmul.f32 v16, v13  }
0x2b: {  	v2 =	vadd.f32 v60, v2;
	v4 =	vadd.f32 v61, v4  }
0x2c: {  	v0 =	vadd.f32 v62, v0;
	v1 =	vadd.f32 v63, v1  }
0x2d: {  	v2 =	vadd.f32 v4, v2  }
0x2e: {  	v0 =	vadd.f32 v0, v1  }
0x2f: {  	s31 =	sshll.u32 s3, $0x5;
	[tilespmem:$0x2000] =	vst v2  }
0x30: {  	s5 =	simm.s32 $0x2000;
	s4 =	sadd.s32 s31, s2;
	[tilespmem:$0x2010] =	vst v0  }
0x31: {  	[spmem:s4] =	stream.linear.scatter [tilespmem:s5], [sflag:$0x1], $0x20, $0x38;
	[tilespmem:$0x2260] =	vst v63  }
0x32: {  	s4 =	simm.s32 $0x1  }
0x33: {  	_ =	swait.ge [sflag:s4], $0x20  }
0x34: {  	[sflag:s4] =	ssyncset.done $0x0  }
0x35: {  	[sflag:s4] =	ssyncadd.s32 $0xFFFFFFE0  }
0x36: {  	p0 =	sne.s32 s3, $0x0;
	[bflag:$0x0] =	sbarrier.arrive $0xFFFF  }
0x37: {  	_ =	sfence.sel @p0 $0x180000  }
0x38: {  	[bflag:$0x0] =	sbarrier.arrive @p0 $0xFFFF  }
0x39: {  	_ =	strace @p0 $0x90000047  }
0x3a: {  	[bflag:$0x2] =	sbarrier.arrive @p0 $0xFFFF  }
0x3b: {  	_ =	shalt @p0  }
.LBB2_3:
0x3c: {  	s3 =	simm.s32 $0x2020  }
0x3d: {  	[tilespmem:s3], [sflag:$0x1] =	stream.linear.gather [spmem:s2], $0x200, $0x38;
	[tilespmem:$0x2260] =	vst v63  }
0x3e: {  	_ =	swait.ge [sflag:s4], $0x200  }
0x3f: {  	[sflag:s4] =	ssyncset.done $0x0  }
0x40: {  	[sflag:s4] =	ssyncadd.s32 $0xFFFFFE00  }
0x41: {  	v0 =	vld [tilespmem:$0x2020]  }
0x42: {  	v1 =	vld [tilespmem:$0x2030]  }
0x43: {  	v2 =	vld [tilespmem:$0x2040]  }
0x44: {  	v3 =	vld [tilespmem:$0x2050]  }
0x45: {  	v4 =	vld [tilespmem:$0x2060]  }
0x46: {  	v5 =	vld [tilespmem:$0x2070]  }
0x47: {  	v6 =	vld [tilespmem:$0x2080]  }
0x48: {  	v39 =	vld [tilespmem:$0x2090];
	v0 =	vadd.f32 v2, v0  }
0x49: {  	v40 =	vld [tilespmem:$0x20A0];
	v1 =	vadd.f32 v3, v1  }
0x4a: {  	v41 =	vld [tilespmem:$0x20B0];
	v0 =	vadd.f32 v4, v0  }
0x4b: {  	v42 =	vld [tilespmem:$0x20C0];
	v1 =	vadd.f32 v5, v1  }
0x4c: {  	v43 =	vld [tilespmem:$0x20D0];
	v0 =	vadd.f32 v6, v0  }
0x4d: {  	v44 =	vld [tilespmem:$0x20E0];
	v1 =	vadd.f32 v39, v1  }
0x4e: {  	v45 =	vld [tilespmem:$0x20F0];
	v0 =	vadd.f32 v40, v0  }
0x4f: {  	v46 =	vld [tilespmem:$0x2100];
	v1 =	vadd.f32 v41, v1  }
0x50: {  	v47 =	vld [tilespmem:$0x2110];
	v0 =	vadd.f32 v42, v0  }
0x51: {  	v48 =	vld [tilespmem:$0x2120];
	v1 =	vadd.f32 v43, v1  }
0x52: {  	v49 =	vld [tilespmem:$0x2130];
	v0 =	vadd.f32 v44, v0  }
0x53: {  	v50 =	vld [tilespmem:$0x2140];
	v1 =	vadd.f32 v45, v1  }
0x54: {  	v51 =	vld [tilespmem:$0x2150];
	v0 =	vadd.f32 v46, v0  }
0x55: {  	v52 =	vld [tilespmem:$0x2160];
	v1 =	vadd.f32 v47, v1  }
0x56: {  	v53 =	vld [tilespmem:$0x2170];
	v0 =	vadd.f32 v48, v0  }
0x57: {  	v54 =	vld [tilespmem:$0x2180];
	v1 =	vadd.f32 v49, v1  }
0x58: {  	v55 =	vld [tilespmem:$0x2190];
	v0 =	vadd.f32 v50, v0  }
0x59: {  	v56 =	vld [tilespmem:$0x21A0];
	v1 =	vadd.f32 v51, v1  }
0x5a: {  	v57 =	vld [tilespmem:$0x21B0];
	v0 =	vadd.f32 v52, v0  }
0x5b: {  	v58 =	vld [tilespmem:$0x21C0];
	v1 =	vadd.f32 v53, v1  }
0x5c: {  	v59 =	vld [tilespmem:$0x21D0];
	v0 =	vadd.f32 v54, v0  }
0x5d: {  	v60 =	vld [tilespmem:$0x21E0];
	v1 =	vadd.f32 v55, v1  }
0x5e: {  	v61 =	vld [tilespmem:$0x21F0];
	v0 =	vadd.f32 v56, v0  }
0x5f: {  	v62 =	vld [tilespmem:$0x2200];
	v1 =	vadd.f32 v57, v1  }
0x60: {  	v63 =	vld [tilespmem:$0x2210];
	v0 =	vadd.f32 v58, v0  }
0x61: {  	v1 =	vadd.f32 v59, v1  }
0x62: {  	v0 =	vadd.f32 v60, v0  }
0x63: {  	v1 =	vadd.f32 v61, v1  }
0x64: {  	v0 =	vadd.f32 v62, v0  }
0x65: {  	v1 =	vadd.f32 v63, v1  }
0x66: {  	[tilespmem:$0x2220] =	vst v0  }
0x67: {  	s30 =	simm.s32 $0x0;
	s31 =	simm.s32 $0x2220;
	[tilespmem:$0x2230] =	vst v1  }
0x68: {  	[hbm4b:s1+s30] =	stream.linear.scatter [tilespmem:s31], [sflag:$0x1], $0x20, $0x38;
	[tilespmem:$0x2260] =	vst v63  }
0x69: {  	_ =	swait.ge [sflag:s4], $0x20  }
0x6a: {  	[sflag:s4] =	ssyncset.done $0x0  }
0x6b: {  	[sflag:s4] =	ssyncadd.s32 $0xFFFFFFE0  }
0x6c: {  	_ =	sfence.sel $0x180000  }
0x6d: {  	[bflag:$0x0] =	sbarrier.arrive $0xFFFF  }
0x6e: {  	_ =	strace $0x90000047  }
0x6f: {  	s0 =	sadd.s32 $0x100000, s0;
	[bflag:$0x2] =	sbarrier.arrive $0xFFFF  }
0x70: {  	[sflag:s0] =	ssyncadd.tile.s32 $0x1;
	_ =	shalt  }
.Lfunc_end2:
_tile_overlayer_lowered:
.L_overlay_start_2:
0x71: {  	(tag) =	ssettag $0x2  }
0x72: {  	s0 =	rddreg [dreg:$0x0];
	s2 =	stileid.u32  }
0x73: {  	s1 =	rddreg [dreg:$0x1];
	p0 =	sne.s32 s2, $0x0  }
0x74: {  	s3 =	rddreg [dreg:$0x2];
	[bflag:$0x3] =	sbarrier.arrive $0xFFFF;
	s2 =	simm.s32 @!p0 $0x1C01  }
0x75: {  	[timem:s3], [sflag:s2] =	dma.local @!p0 [hbm:s0], s1  }
0x76: {  	s0 =	simm.s32 @!p0 $0x1  }
0x77: {  	_ =	swait.ge @!p0 [sflag:s0], s1  }
0x78: {  	s1 =	ssub.s32 @!p0 $0x0, s1;
	[sflag:s0] =	ssyncset.done @!p0 $0x0  }
0x79: {  	[sflag:s0] =	ssyncadd.s32 @!p0 s1  }
0x7a: {  	[bflag:$0x3] =	sbarrier.arrive $0xFFFF  }
0x7b: {  	_ =	shalt  }

</sc_bundles>
